<compile_context>
chip_gen: v7x
topology: tpu7x:2x2x1
jax: 0.10.2.dev20260603
libtpu: 0.0.44.dev20260713+nightly
codegen_flags: <defaults>
</compile_context>

<pallas_src>
import functools

import jax
import jax.numpy as jnp
from jax import lax
from jax.experimental import pallas as pl
from jax.experimental.pallas import tpu as pltpu
from jax.experimental.pallas import tpu_sc as plsc

_INFO = plsc.get_sparse_core_info()
_L = _INFO.num_lanes
_NW = 16

_BATCH = 16384
_B_PER_W = _BATCH // _NW
_HALF = _B_PER_W // 2


def _sc_gather_sigmoid(items, table_1d):
    mesh = plsc.VectorSubcoreMesh(
        core_axis_name="c", subcore_axis_name="s", num_cores=1
    )

    @functools.partial(
        pl.kernel,
        mesh=mesh,
        out_type=jax.ShapeDtypeStruct((_BATCH,), jnp.float32),
        scratch_types=[
            pltpu.VMEM((_HALF,), jnp.int32),
            pltpu.VMEM((_HALF,), jnp.int32),
            pltpu.VMEM((_B_PER_W,), jnp.float32),
            pltpu.SemaphoreType.DMA,
            pltpu.SemaphoreType.DMA,
            pltpu.SemaphoreType.DMA,
            pltpu.SemaphoreType.DMA,
            pltpu.SemaphoreType.DMA,
        ],
    )
    def k(items_hbm, table_hbm, out_hbm, idx1, idx2, vals_v, i1, i2, g1, g2, osem):
        wid = lax.axis_index("s")
        base = wid * _B_PER_W
        c1 = pltpu.async_copy(items_hbm.at[pl.ds(base, _HALF)], idx1, i1)
        c2 = pltpu.async_copy(items_hbm.at[pl.ds(base + _HALF, _HALF)], idx2, i2)
        c1.wait()
        d1 = pltpu.async_copy(table_hbm.at[idx1], vals_v.at[pl.ds(0, _HALF)], g1)
        c2.wait()
        d2 = pltpu.async_copy(
            table_hbm.at[idx2], vals_v.at[pl.ds(_HALF, _HALF)], g2
        )

        def sigmoid_chunk(i, carry):
            x = vals_v[pl.ds(i * _L, _L)]
            vals_v[pl.ds(i * _L, _L)] = 1.0 / (1.0 + jnp.exp(-x))
            return carry

        d1.wait()
        lax.fori_loop(0, _HALF // _L, sigmoid_chunk, 0, unroll=8)
        o1 = pltpu.async_copy(
            vals_v.at[pl.ds(0, _HALF)], out_hbm.at[pl.ds(base, _HALF)], osem
        )
        d2.wait()
        lax.fori_loop(_HALF // _L, _B_PER_W // _L, sigmoid_chunk, 0, unroll=8)
        o2 = pltpu.async_copy(
            vals_v.at[pl.ds(_HALF, _HALF)],
            out_hbm.at[pl.ds(base + _HALF, _HALF)],
            osem,
        )
        o1.wait()
        o2.wait()

    return k(items, table_1d)


def kernel(items, data_bias_weight):
    return _sc_gather_sigmoid(
        items.astype(jnp.int32), data_bias_weight.reshape(-1)
    )

# --- scband reference (transcript-rebuilt; emitter-appended) ---
"""Pipeline reference for scband-one-linear-87325275062727 (READ-ONLY COPY).

The authoritative reference and input builder live on the scoring server;
editing this copy changes nothing except your own understanding.
"""

import jax, jax.numpy as jnp
import numpy as np

N_ITEMS = 1000000
BATCH = 16384

def setup_inputs(seed: int = 0) -> dict:
    key = jax.random.key(seed)
    k1, k2 = jax.random.split(key)
    items = jax.random.randint(k1, (BATCH,), 0, N_ITEMS, dtype=jnp.int64 if jax.config.jax_enable_x64 else jnp.int32)
    # kaiming_normal_ fan_out on [n, 1]: fan_out = 1, gain = sqrt(2) (a=0, leaky_relu default)
    std = np.sqrt(2.0) / np.sqrt(1.0)
    data_bias_weight = jax.random.normal(k2, (N_ITEMS, 1), dtype=jnp.float32) * std
    return {"items": items, "data_bias_weight": data_bias_weight}

def reference(items, data_bias_weight):
    # d_items = self.data_bias.weight[items]  -> gather rows
    d_items = jnp.take(data_bias_weight, items, axis=0)  # [B, 1]
    # torch.sigmoid(d_items.squeeze())
    return jax.nn.sigmoid(jnp.squeeze(d_items, axis=-1))  # [B]

if __name__ == "__main__":
    import jax
    _d = setup_inputs()
    print(jax.jit(kernel)(*tuple(_d.values())))

</pallas_src>

<mosaic_0001>
#map = affine_map<(d0, d1) -> (0)>
module attributes {stable_mosaic.version = 14 : i64} {
  func.func @k(%arg0: i32, %arg1: i32, %arg2: memref<16384xi32, #tpu.memory_space<hbm>>, %arg3: memref<1000000xf32, #tpu.memory_space<hbm>>, %arg4: memref<16384xf32, #tpu.memory_space<hbm>>, %arg5: memref<512xi32, #tpu.memory_space<vmem>>, %arg6: memref<512xi32, #tpu.memory_space<vmem>>, %arg7: memref<1024xf32, #tpu.memory_space<vmem>>, %arg8: memref<!tpu.dma_semaphore, #tpu.memory_space<semaphore_mem>>, %arg9: memref<!tpu.dma_semaphore, #tpu.memory_space<semaphore_mem>>, %arg10: memref<!tpu.dma_semaphore, #tpu.memory_space<semaphore_mem>>, %arg11: memref<!tpu.dma_semaphore, #tpu.memory_space<semaphore_mem>>, %arg12: memref<!tpu.dma_semaphore, #tpu.memory_space<semaphore_mem>>) attributes {dimension_semantics = [#tpu.dimension_semantics<core_parallel>, #tpu.dimension_semantics<subcore_parallel>], iteration_bounds = array<i64: 1, 16>, scalar_prefetch = 0 : i64, scratch_operands = 8 : i64, tpu.core_type = #tpu.core_type<sc_vector_subcore>, window_params = [{transform_indices = #map}, {transform_indices = #map}, {transform_indices = #map}]} {
    %mul3A = arith.constant 1024 : i32
    %mul3A_0 = arith.muli %arg1, %mul3A : i32
    %dma_start3A = tpu.memref_slice %arg2[%mul3A_0] : memref<16384xi32, #tpu.memory_space<hbm>> -> memref<512xi32, #tpu.memory_space<hbm>>
    %dma_start3A_1 = tpu.memref_slice %arg2[%mul3A_0] : memref<16384xi32, #tpu.memory_space<hbm>> -> memref<512xi32, #tpu.memory_space<hbm>>
    tpu.enqueue_dma source(%dma_start3A_1 : memref<512xi32, #tpu.memory_space<hbm>>) target(%arg5 : memref<512xi32, #tpu.memory_space<vmem>>) target_semaphore(%arg8 : memref<!tpu.dma_semaphore, #tpu.memory_space<semaphore_mem>>)
    %add3A = arith.constant 512 : i32
    %add3A_2 = arith.addi %mul3A_0, %add3A : i32
    %dma_start3A_3 = tpu.memref_slice %arg2[%add3A_2] : memref<16384xi32, #tpu.memory_space<hbm>> -> memref<512xi32, #tpu.memory_space<hbm>>
    %dma_start3A_4 = tpu.memref_slice %arg2[%add3A_2] : memref<16384xi32, #tpu.memory_space<hbm>> -> memref<512xi32, #tpu.memory_space<hbm>>
    tpu.enqueue_dma source(%dma_start3A_4 : memref<512xi32, #tpu.memory_space<hbm>>) target(%arg6 : memref<512xi32, #tpu.memory_space<vmem>>) target_semaphore(%arg9 : memref<!tpu.dma_semaphore, #tpu.memory_space<semaphore_mem>>)
    %dma_wait3A = tpu.memref_slice %arg2[%mul3A_0] : memref<16384xi32, #tpu.memory_space<hbm>> -> memref<512xi32, #tpu.memory_space<hbm>>
    %dma_wait3A_5 = tpu.memref_slice %arg2[%mul3A_0] : memref<16384xi32, #tpu.memory_space<hbm>> -> memref<512xi32, #tpu.memory_space<hbm>>
    tpu.wait_dma2 semaphore(%arg8 : memref<!tpu.dma_semaphore, #tpu.memory_space<semaphore_mem>>) src(%dma_wait3A_5 : memref<512xi32, #tpu.memory_space<hbm>>) dst(%arg5 : memref<512xi32, #tpu.memory_space<vmem>>)
    %dma_start3A_6 = arith.constant 0 : i32
    %dma_start3A_7 = tpu.memref_slice %arg7[%dma_start3A_6] : memref<1024xf32, #tpu.memory_space<vmem>> -> memref<512xf32, #tpu.memory_space<vmem>>
    %dma_start3A_8 = arith.constant 0 : i32
    %dma_start3A_9 = tpu.memref_slice %arg3[%dma_start3A_8] : memref<1000000xf32, #tpu.memory_space<hbm>> -> memref<1000000xf32, #tpu.memory_space<hbm>>
    tpu.enqueue_indirect_dma source(%dma_start3A_9 : memref<1000000xf32, #tpu.memory_space<hbm>>) target(%dma_start3A_7 : memref<512xf32, #tpu.memory_space<vmem>>) offsets(%arg5 : memref<512xi32, #tpu.memory_space<vmem>>) semaphore(%arg10 : memref<!tpu.dma_semaphore, #tpu.memory_space<semaphore_mem>>)
    %dma_wait3A_10 = tpu.memref_slice %arg2[%add3A_2] : memref<16384xi32, #tpu.memory_space<hbm>> -> memref<512xi32, #tpu.memory_space<hbm>>
    %dma_wait3A_11 = tpu.memref_slice %arg2[%add3A_2] : memref<16384xi32, #tpu.memory_space<hbm>> -> memref<512xi32, #tpu.memory_space<hbm>>
    tpu.wait_dma2 semaphore(%arg9 : memref<!tpu.dma_semaphore, #tpu.memory_space<semaphore_mem>>) src(%dma_wait3A_11 : memref<512xi32, #tpu.memory_space<hbm>>) dst(%arg6 : memref<512xi32, #tpu.memory_space<vmem>>)
    %dma_start3A_12 = arith.constant 512 : i32
    %dma_start3A_13 = tpu.memref_slice %arg7[%dma_start3A_12] : memref<1024xf32, #tpu.memory_space<vmem>> -> memref<512xf32, #tpu.memory_space<vmem>>
    %dma_start3A_14 = arith.constant 0 : i32
    %dma_start3A_15 = tpu.memref_slice %arg3[%dma_start3A_14] : memref<1000000xf32, #tpu.memory_space<hbm>> -> memref<1000000xf32, #tpu.memory_space<hbm>>
    tpu.enqueue_indirect_dma source(%dma_start3A_15 : memref<1000000xf32, #tpu.memory_space<hbm>>) target(%dma_start3A_13 : memref<512xf32, #tpu.memory_space<vmem>>) offsets(%arg6 : memref<512xi32, #tpu.memory_space<vmem>>) semaphore(%arg11 : memref<!tpu.dma_semaphore, #tpu.memory_space<semaphore_mem>>)
    %dma_wait3A_16 = arith.constant 0 : i32
    %dma_wait3A_17 = tpu.memref_slice %arg7[%dma_wait3A_16] : memref<1024xf32, #tpu.memory_space<vmem>> -> memref<512xf32, #tpu.memory_space<vmem>>
    %dma_wait3A_18 = arith.constant 0 : i32
    %dma_wait3A_19 = tpu.memref_slice %arg3[%dma_wait3A_18] : memref<1000000xf32, #tpu.memory_space<hbm>> -> memref<1000000xf32, #tpu.memory_space<hbm>>
    tpu.wait_indirect_dma semaphore(%arg10 : memref<!tpu.dma_semaphore, #tpu.memory_space<semaphore_mem>>) src(%dma_wait3A_19 : memref<1000000xf32, #tpu.memory_space<hbm>>) dst(%dma_wait3A_17 : memref<512xf32, #tpu.memory_space<vmem>>)
    %scan3A = arith.constant 0 : i32
    %scan3A_20 = arith.constant 0 : i32
    %scan3A_21 = arith.constant 32 : i32
    %scan3A_22 = arith.addi %scan3A_20, %scan3A_21 : i32
    %scan3A_23 = arith.constant 8 : i32
    scf.for %scan3A_61 = %scan3A_20 to %scan3A_22 step %scan3A_23  : i32 {
      %mul3A_62 = arith.constant 16 : i32
      %mul3A_63 = arith.muli %scan3A_61, %mul3A_62 : i32
      %get3A = arith.index_cast %mul3A_63 : i32 to index
      %get3A_64 = tpu.vector_load %arg7[%get3A] {strides = array<i32>} : memref<1024xf32, #tpu.memory_space<vmem>>, vector<16xf32>,
      %get3A_65 = vector.shape_cast %get3A_64 : vector<16xf32> to vector<16xf32>
      %neg3A = arith.constant 0.000000e+00 : f32
      %neg3A_66 = vector.broadcast %neg3A : f32 to vector<16xf32>
      %neg3A_67 = arith.subf %neg3A_66, %get3A_65 : vector<16xf32>
      %exp3A = math.exp %neg3A_67 : vector<16xf32>
      %add3A_68 = arith.constant 1.000000e+00 : f32
      %add3A_69 = vector.broadcast %add3A_68 : f32 to vector<16xf32>
      %add3A_70 = arith.addf %add3A_69, %exp3A : vector<16xf32>
      %div3A = arith.constant 1.000000e+00 : f32
      %div3A_71 = vector.broadcast %div3A : f32 to vector<16xf32>
      %div3A_72 = arith.divf %div3A_71, %add3A_70 : vector<16xf32>
      %mul3A_73 = arith.constant 16 : i32
      %mul3A_74 = arith.muli %scan3A_61, %mul3A_73 : i32
      %swap3A = arith.index_cast %mul3A_74 : i32 to index
      %swap3A_75 = tpu.vector_load %arg7[%swap3A] {strides = array<i32>} : memref<1024xf32, #tpu.memory_space<vmem>>, vector<16xf32>,
      %swap3A_76 = vector.shape_cast %swap3A_75 : vector<16xf32> to vector<16xf32>
      %swap3A_77 = vector.shape_cast %div3A_72 : vector<16xf32> to vector<16xf32>
      tpu.vector_store %arg7[%swap3A], %swap3A_77 {strides = array<i32>} : memref<1024xf32, #tpu.memory_space<vmem>>, vector<16xf32>,
      %scan3A_78 = arith.constant 1 : i32
      %scan3A_79 = arith.addi %scan3A_61, %scan3A_78 : i32
      %mul3A_80 = arith.constant 16 : i32
      %mul3A_81 = arith.muli %scan3A_79, %mul3A_80 : i32
      %get3A_82 = arith.index_cast %mul3A_81 : i32 to index
      %get3A_83 = tpu.vector_load %arg7[%get3A_82] {strides = array<i32>} : memref<1024xf32, #tpu.memory_space<vmem>>, vector<16xf32>,
      %get3A_84 = vector.shape_cast %get3A_83 : vector<16xf32> to vector<16xf32>
      %neg3A_85 = arith.constant 0.000000e+00 : f32
      %neg3A_86 = vector.broadcast %neg3A_85 : f32 to vector<16xf32>
      %neg3A_87 = arith.subf %neg3A_86, %get3A_84 : vector<16xf32>
      %exp3A_88 = math.exp %neg3A_87 : vector<16xf32>
      %add3A_89 = arith.constant 1.000000e+00 : f32
      %add3A_90 = vector.broadcast %add3A_89 : f32 to vector<16xf32>
      %add3A_91 = arith.addf %add3A_90, %exp3A_88 : vector<16xf32>
      %div3A_92 = arith.constant 1.000000e+00 : f32
      %div3A_93 = vector.broadcast %div3A_92 : f32 to vector<16xf32>
      %div3A_94 = arith.divf %div3A_93, %add3A_91 : vector<16xf32>
      %mul3A_95 = arith.constant 16 : i32
      %mul3A_96 = arith.muli %scan3A_79, %mul3A_95 : i32
      %swap3A_97 = arith.index_cast %mul3A_96 : i32 to index
      %swap3A_98 = tpu.vector_load %arg7[%swap3A_97] {strides = array<i32>} : memref<1024xf32, #tpu.memory_space<vmem>>, vector<16xf32>,
      %swap3A_99 = vector.shape_cast %swap3A_98 : vector<16xf32> to vector<16xf32>
      %swap3A_100 = vector.shape_cast %div3A_94 : vector<16xf32> to vector<16xf32>
      tpu.vector_store %arg7[%swap3A_97], %swap3A_100 {strides = array<i32>} : memref<1024xf32, #tpu.memory_space<vmem>>, vector<16xf32>,
      %scan3A_101 = arith.constant 2 : i32
      %scan3A_102 = arith.addi %scan3A_61, %scan3A_101 : i32
      %mul3A_103 = arith.constant 16 : i32
      %mul3A_104 = arith.muli %scan3A_102, %mul3A_103 : i32
      %get3A_105 = arith.index_cast %mul3A_104 : i32 to index
      %get3A_106 = tpu.vector_load %arg7[%get3A_105] {strides = array<i32>} : memref<1024xf32, #tpu.memory_space<vmem>>, vector<16xf32>,
      %get3A_107 = vector.shape_cast %get3A_106 : vector<16xf32> to vector<16xf32>
      %neg3A_108 = arith.constant 0.000000e+00 : f32
      %neg3A_109 = vector.broadcast %neg3A_108 : f32 to vector<16xf32>
      %neg3A_110 = arith.subf %neg3A_109, %get3A_107 : vector<16xf32>
      %exp3A_111 = math.exp %neg3A_110 : vector<16xf32>
      %add3A_112 = arith.constant 1.000000e+00 : f32
      %add3A_113 = vector.broadcast %add3A_112 : f32 to vector<16xf32>
      %add3A_114 = arith.addf %add3A_113, %exp3A_111 : vector<16xf32>
      %div3A_115 = arith.constant 1.000000e+00 : f32
      %div3A_116 = vector.broadcast %div3A_115 : f32 to vector<16xf32>
      %div3A_117 = arith.divf %div3A_116, %add3A_114 : vector<16xf32>
      %mul3A_118 = arith.constant 16 : i32
      %mul3A_119 = arith.muli %scan3A_102, %mul3A_118 : i32
      %swap3A_120 = arith.index_cast %mul3A_119 : i32 to index
      %swap3A_121 = tpu.vector_load %arg7[%swap3A_120] {strides = array<i32>} : memref<1024xf32, #tpu.memory_space<vmem>>, vector<16xf32>,
      %swap3A_122 = vector.shape_cast %swap3A_121 : vector<16xf32> to vector<16xf32>
      %swap3A_123 = vector.shape_cast %div3A_117 : vector<16xf32> to vector<16xf32>
      tpu.vector_store %arg7[%swap3A_120], %swap3A_123 {strides = array<i32>} : memref<1024xf32, #tpu.memory_space<vmem>>, vector<16xf32>,
      %scan3A_124 = arith.constant 3 : i32
      %scan3A_125 = arith.addi %scan3A_61, %scan3A_124 : i32
      %mul3A_126 = arith.constant 16 : i32
      %mul3A_127 = arith.muli %scan3A_125, %mul3A_126 : i32
      %get3A_128 = arith.index_cast %mul3A_127 : i32 to index
      %get3A_129 = tpu.vector_load %arg7[%get3A_128] {strides = array<i32>} : memref<1024xf32, #tpu.memory_space<vmem>>, vector<16xf32>,
      %get3A_130 = vector.shape_cast %get3A_129 : vector<16xf32> to vector<16xf32>
      %neg3A_131 = arith.constant 0.000000e+00 : f32
      %neg3A_132 = vector.broadcast %neg3A_131 : f32 to vector<16xf32>
      %neg3A_133 = arith.subf %neg3A_132, %get3A_130 : vector<16xf32>
      %exp3A_134 = math.exp %neg3A_133 : vector<16xf32>
      %add3A_135 = arith.constant 1.000000e+00 : f32
      %add3A_136 = vector.broadcast %add3A_135 : f32 to vector<16xf32>
      %add3A_137 = arith.addf %add3A_136, %exp3A_134 : vector<16xf32>
      %div3A_138 = arith.constant 1.000000e+00 : f32
      %div3A_139 = vector.broadcast %div3A_138 : f32 to vector<16xf32>
      %div3A_140 = arith.divf %div3A_139, %add3A_137 : vector<16xf32>
      %mul3A_141 = arith.constant 16 : i32
      %mul3A_142 = arith.muli %scan3A_125, %mul3A_141 : i32
      %swap3A_143 = arith.index_cast %mul3A_142 : i32 to index
      %swap3A_144 = tpu.vector_load %arg7[%swap3A_143] {strides = array<i32>} : memref<1024xf32, #tpu.memory_space<vmem>>, vector<16xf32>,
      %swap3A_145 = vector.shape_cast %swap3A_144 : vector<16xf32> to vector<16xf32>
      %swap3A_146 = vector.shape_cast %div3A_140 : vector<16xf32> to vector<16xf32>
      tpu.vector_store %arg7[%swap3A_143], %swap3A_146 {strides = array<i32>} : memref<1024xf32, #tpu.memory_space<vmem>>, vector<16xf32>,
      %scan3A_147 = arith.constant 4 : i32
      %scan3A_148 = arith.addi %scan3A_61, %scan3A_147 : i32
      %mul3A_149 = arith.constant 16 : i32
      %mul3A_150 = arith.muli %scan3A_148, %mul3A_149 : i32
      %get3A_151 = arith.index_cast %mul3A_150 : i32 to index
      %get3A_152 = tpu.vector_load %arg7[%get3A_151] {strides = array<i32>} : memref<1024xf32, #tpu.memory_space<vmem>>, vector<16xf32>,
      %get3A_153 = vector.shape_cast %get3A_152 : vector<16xf32> to vector<16xf32>
      %neg3A_154 = arith.constant 0.000000e+00 : f32
      %neg3A_155 = vector.broadcast %neg3A_154 : f32 to vector<16xf32>
      %neg3A_156 = arith.subf %neg3A_155, %get3A_153 : vector<16xf32>
      %exp3A_157 = math.exp %neg3A_156 : vector<16xf32>
      %add3A_158 = arith.constant 1.000000e+00 : f32
      %add3A_159 = vector.broadcast %add3A_158 : f32 to vector<16xf32>
      %add3A_160 = arith.addf %add3A_159, %exp3A_157 : vector<16xf32>
      %div3A_161 = arith.constant 1.000000e+00 : f32
      %div3A_162 = vector.broadcast %div3A_161 : f32 to vector<16xf32>
      %div3A_163 = arith.divf %div3A_162, %add3A_160 : vector<16xf32>
      %mul3A_164 = arith.constant 16 : i32
      %mul3A_165 = arith.muli %scan3A_148, %mul3A_164 : i32
      %swap3A_166 = arith.index_cast %mul3A_165 : i32 to index
      %swap3A_167 = tpu.vector_load %arg7[%swap3A_166] {strides = array<i32>} : memref<1024xf32, #tpu.memory_space<vmem>>, vector<16xf32>,
      %swap3A_168 = vector.shape_cast %swap3A_167 : vector<16xf32> to vector<16xf32>
      %swap3A_169 = vector.shape_cast %div3A_163 : vector<16xf32> to vector<16xf32>
      tpu.vector_store %arg7[%swap3A_166], %swap3A_169 {strides = array<i32>} : memref<1024xf32, #tpu.memory_space<vmem>>, vector<16xf32>,
      %scan3A_170 = arith.constant 5 : i32
      %scan3A_171 = arith.addi %scan3A_61, %scan3A_170 : i32
      %mul3A_172 = arith.constant 16 : i32
      %mul3A_173 = arith.muli %scan3A_171, %mul3A_172 : i32
      %get3A_174 = arith.index_cast %mul3A_173 : i32 to index
      %get3A_175 = tpu.vector_load %arg7[%get3A_174] {strides = array<i32>} : memref<1024xf32, #tpu.memory_space<vmem>>, vector<16xf32>,
      %get3A_176 = vector.shape_cast %get3A_175 : vector<16xf32> to vector<16xf32>
      %neg3A_177 = arith.constant 0.000000e+00 : f32
      %neg3A_178 = vector.broadcast %neg3A_177 : f32 to vector<16xf32>
      %neg3A_179 = arith.subf %neg3A_178, %get3A_176 : vector<16xf32>
      %exp3A_180 = math.exp %neg3A_179 : vector<16xf32>
      %add3A_181 = arith.constant 1.000000e+00 : f32
      %add3A_182 = vector.broadcast %add3A_181 : f32 to vector<16xf32>
      %add3A_183 = arith.addf %add3A_182, %exp3A_180 : vector<16xf32>
      %div3A_184 = arith.constant 1.000000e+00 : f32
      %div3A_185 = vector.broadcast %div3A_184 : f32 to vector<16xf32>
      %div3A_186 = arith.divf %div3A_185, %add3A_183 : vector<16xf32>
      %mul3A_187 = arith.constant 16 : i32
      %mul3A_188 = arith.muli %scan3A_171, %mul3A_187 : i32
      %swap3A_189 = arith.index_cast %mul3A_188 : i32 to index
      %swap3A_190 = tpu.vector_load %arg7[%swap3A_189] {strides = array<i32>} : memref<1024xf32, #tpu.memory_space<vmem>>, vector<16xf32>,
      %swap3A_191 = vector.shape_cast %swap3A_190 : vector<16xf32> to vector<16xf32>
      %swap3A_192 = vector.shape_cast %div3A_186 : vector<16xf32> to vector<16xf32>
      tpu.vector_store %arg7[%swap3A_189], %swap3A_192 {strides = array<i32>} : memref<1024xf32, #tpu.memory_space<vmem>>, vector<16xf32>,
      %scan3A_193 = arith.constant 6 : i32
      %scan3A_194 = arith.addi %scan3A_61, %scan3A_193 : i32
      %mul3A_195 = arith.constant 16 : i32
      %mul3A_196 = arith.muli %scan3A_194, %mul3A_195 : i32
      %get3A_197 = arith.index_cast %mul3A_196 : i32 to index
      %get3A_198 = tpu.vector_load %arg7[%get3A_197] {strides = array<i32>} : memref<1024xf32, #tpu.memory_space<vmem>>, vector<16xf32>,
      %get3A_199 = vector.shape_cast %get3A_198 : vector<16xf32> to vector<16xf32>
      %neg3A_200 = arith.constant 0.000000e+00 : f32
      %neg3A_201 = vector.broadcast %neg3A_200 : f32 to vector<16xf32>
      %neg3A_202 = arith.subf %neg3A_201, %get3A_199 : vector<16xf32>
      %exp3A_203 = math.exp %neg3A_202 : vector<16xf32>
      %add3A_204 = arith.constant 1.000000e+00 : f32
      %add3A_205 = vector.broadcast %add3A_204 : f32 to vector<16xf32>
      %add3A_206 = arith.addf %add3A_205, %exp3A_203 : vector<16xf32>
      %div3A_207 = arith.constant 1.000000e+00 : f32
      %div3A_208 = vector.broadcast %div3A_207 : f32 to vector<16xf32>
      %div3A_209 = arith.divf %div3A_208, %add3A_206 : vector<16xf32>
      %mul3A_210 = arith.constant 16 : i32
      %mul3A_211 = arith.muli %scan3A_194, %mul3A_210 : i32
      %swap3A_212 = arith.index_cast %mul3A_211 : i32 to index
      %swap3A_213 = tpu.vector_load %arg7[%swap3A_212] {strides = array<i32>} : memref<1024xf32, #tpu.memory_space<vmem>>, vector<16xf32>,
      %swap3A_214 = vector.shape_cast %swap3A_213 : vector<16xf32> to vector<16xf32>
      %swap3A_215 = vector.shape_cast %div3A_209 : vector<16xf32> to vector<16xf32>
      tpu.vector_store %arg7[%swap3A_212], %swap3A_215 {strides = array<i32>} : memref<1024xf32, #tpu.memory_space<vmem>>, vector<16xf32>,
      %scan3A_216 = arith.constant 7 : i32
      %scan3A_217 = arith.addi %scan3A_61, %scan3A_216 : i32
      %mul3A_218 = arith.constant 16 : i32
      %mul3A_219 = arith.muli %scan3A_217, %mul3A_218 : i32
      %get3A_220 = arith.index_cast %mul3A_219 : i32 to index
      %get3A_221 = tpu.vector_load %arg7[%get3A_220] {strides = array<i32>} : memref<1024xf32, #tpu.memory_space<vmem>>, vector<16xf32>,
      %get3A_222 = vector.shape_cast %get3A_221 : vector<16xf32> to vector<16xf32>
      %neg3A_223 = arith.constant 0.000000e+00 : f32
      %neg3A_224 = vector.broadcast %neg3A_223 : f32 to vector<16xf32>
      %neg3A_225 = arith.subf %neg3A_224, %get3A_222 : vector<16xf32>
      %exp3A_226 = math.exp %neg3A_225 : vector<16xf32>
      %add3A_227 = arith.constant 1.000000e+00 : f32
      %add3A_228 = vector.broadcast %add3A_227 : f32 to vector<16xf32>
      %add3A_229 = arith.addf %add3A_228, %exp3A_226 : vector<16xf32>
      %div3A_230 = arith.constant 1.000000e+00 : f32
      %div3A_231 = vector.broadcast %div3A_230 : f32 to vector<16xf32>
      %div3A_232 = arith.divf %div3A_231, %add3A_229 : vector<16xf32>
      %mul3A_233 = arith.constant 16 : i32
      %mul3A_234 = arith.muli %scan3A_217, %mul3A_233 : i32
      %swap3A_235 = arith.index_cast %mul3A_234 : i32 to index
      %swap3A_236 = tpu.vector_load %arg7[%swap3A_235] {strides = array<i32>} : memref<1024xf32, #tpu.memory_space<vmem>>, vector<16xf32>,
      %swap3A_237 = vector.shape_cast %swap3A_236 : vector<16xf32> to vector<16xf32>
      %swap3A_238 = vector.shape_cast %div3A_232 : vector<16xf32> to vector<16xf32>
      tpu.vector_store %arg7[%swap3A_235], %swap3A_238 {strides = array<i32>} : memref<1024xf32, #tpu.memory_space<vmem>>, vector<16xf32>,
    }
    %scan3A_24 = arith.constant 32 : i32
    %dma_start3A_25 = arith.constant 0 : i32
    %dma_start3A_26 = tpu.memref_slice %arg7[%dma_start3A_25] : memref<1024xf32, #tpu.memory_space<vmem>> -> memref<512xf32, #tpu.memory_space<vmem>>
    %dma_start3A_27 = tpu.memref_slice %arg4[%mul3A_0] : memref<16384xf32, #tpu.memory_space<hbm>> -> memref<512xf32, #tpu.memory_space<hbm>>
    %dma_start3A_28 = tpu.memref_slice %arg4[%mul3A_0] : memref<16384xf32, #tpu.memory_space<hbm>> -> memref<512xf32, #tpu.memory_space<hbm>>
    %dma_start3A_29 = arith.constant 0 : i32
    %dma_start3A_30 = tpu.memref_slice %arg7[%dma_start3A_29] : memref<1024xf32, #tpu.memory_space<vmem>> -> memref<512xf32, #tpu.memory_space<vmem>>
    tpu.enqueue_dma source(%dma_start3A_30 : memref<512xf32, #tpu.memory_space<vmem>>) target(%dma_start3A_28 : memref<512xf32, #tpu.memory_space<hbm>>) target_semaphore(%arg12 : memref<!tpu.dma_semaphore, #tpu.memory_space<semaphore_mem>>)
    %dma_wait3A_31 = arith.constant 512 : i32
    %dma_wait3A_32 = tpu.memref_slice %arg7[%dma_wait3A_31] : memref<1024xf32, #tpu.memory_space<vmem>> -> memref<512xf32, #tpu.memory_space<vmem>>
    %dma_wait3A_33 = arith.constant 0 : i32
    %dma_wait3A_34 = tpu.memref_slice %arg3[%dma_wait3A_33] : memref<1000000xf32, #tpu.memory_space<hbm>> -> memref<1000000xf32, #tpu.memory_space<hbm>>
    tpu.wait_indirect_dma semaphore(%arg11 : memref<!tpu.dma_semaphore, #tpu.memory_space<semaphore_mem>>) src(%dma_wait3A_34 : memref<1000000xf32, #tpu.memory_space<hbm>>) dst(%dma_wait3A_32 : memref<512xf32, #tpu.memory_space<vmem>>)
    %scan3A_35 = arith.constant 0 : i32
    %scan3A_36 = arith.constant 32 : i32
    %scan3A_37 = arith.constant 32 : i32
    %scan3A_38 = arith.addi %scan3A_36, %scan3A_37 : i32
    %scan3A_39 = arith.constant 8 : i32
    scf.for %scan3A_61 = %scan3A_36 to %scan3A_38 step %scan3A_39  : i32 {
      %mul3A_62 = arith.constant 16 : i32
      %mul3A_63 = arith.muli %scan3A_61, %mul3A_62 : i32
      %get3A = arith.index_cast %mul3A_63 : i32 to index
      %get3A_64 = tpu.vector_load %arg7[%get3A] {strides = array<i32>} : memref<1024xf32, #tpu.memory_space<vmem>>, vector<16xf32>,
      %get3A_65 = vector.shape_cast %get3A_64 : vector<16xf32> to vector<16xf32>
      %neg3A = arith.constant 0.000000e+00 : f32
      %neg3A_66 = vector.broadcast %neg3A : f32 to vector<16xf32>
      %neg3A_67 = arith.subf %neg3A_66, %get3A_65 : vector<16xf32>
      %exp3A = math.exp %neg3A_67 : vector<16xf32>
      %add3A_68 = arith.constant 1.000000e+00 : f32
      %add3A_69 = vector.broadcast %add3A_68 : f32 to vector<16xf32>
      %add3A_70 = arith.addf %add3A_69, %exp3A : vector<16xf32>
      %div3A = arith.constant 1.000000e+00 : f32
      %div3A_71 = vector.broadcast %div3A : f32 to vector<16xf32>
      %div3A_72 = arith.divf %div3A_71, %add3A_70 : vector<16xf32>
      %mul3A_73 = arith.constant 16 : i32
      %mul3A_74 = arith.muli %scan3A_61, %mul3A_73 : i32
      %swap3A = arith.index_cast %mul3A_74 : i32 to index
      %swap3A_75 = tpu.vector_load %arg7[%swap3A] {strides = array<i32>} : memref<1024xf32, #tpu.memory_space<vmem>>, vector<16xf32>,
      %swap3A_76 = vector.shape_cast %swap3A_75 : vector<16xf32> to vector<16xf32>
      %swap3A_77 = vector.shape_cast %div3A_72 : vector<16xf32> to vector<16xf32>
      tpu.vector_store %arg7[%swap3A], %swap3A_77 {strides = array<i32>} : memref<1024xf32, #tpu.memory_space<vmem>>, vector<16xf32>,
      %scan3A_78 = arith.constant 1 : i32
      %scan3A_79 = arith.addi %scan3A_61, %scan3A_78 : i32
      %mul3A_80 = arith.constant 16 : i32
      %mul3A_81 = arith.muli %scan3A_79, %mul3A_80 : i32
      %get3A_82 = arith.index_cast %mul3A_81 : i32 to index
      %get3A_83 = tpu.vector_load %arg7[%get3A_82] {strides = array<i32>} : memref<1024xf32, #tpu.memory_space<vmem>>, vector<16xf32>,
      %get3A_84 = vector.shape_cast %get3A_83 : vector<16xf32> to vector<16xf32>
      %neg3A_85 = arith.constant 0.000000e+00 : f32
      %neg3A_86 = vector.broadcast %neg3A_85 : f32 to vector<16xf32>
      %neg3A_87 = arith.subf %neg3A_86, %get3A_84 : vector<16xf32>
      %exp3A_88 = math.exp %neg3A_87 : vector<16xf32>
      %add3A_89 = arith.constant 1.000000e+00 : f32
      %add3A_90 = vector.broadcast %add3A_89 : f32 to vector<16xf32>
      %add3A_91 = arith.addf %add3A_90, %exp3A_88 : vector<16xf32>
      %div3A_92 = arith.constant 1.000000e+00 : f32
      %div3A_93 = vector.broadcast %div3A_92 : f32 to vector<16xf32>
      %div3A_94 = arith.divf %div3A_93, %add3A_91 : vector<16xf32>
      %mul3A_95 = arith.constant 16 : i32
      %mul3A_96 = arith.muli %scan3A_79, %mul3A_95 : i32
      %swap3A_97 = arith.index_cast %mul3A_96 : i32 to index
      %swap3A_98 = tpu.vector_load %arg7[%swap3A_97] {strides = array<i32>} : memref<1024xf32, #tpu.memory_space<vmem>>, vector<16xf32>,
      %swap3A_99 = vector.shape_cast %swap3A_98 : vector<16xf32> to vector<16xf32>
      %swap3A_100 = vector.shape_cast %div3A_94 : vector<16xf32> to vector<16xf32>
      tpu.vector_store %arg7[%swap3A_97], %swap3A_100 {strides = array<i32>} : memref<1024xf32, #tpu.memory_space<vmem>>, vector<16xf32>,
      %scan3A_101 = arith.constant 2 : i32
      %scan3A_102 = arith.addi %scan3A_61, %scan3A_101 : i32
      %mul3A_103 = arith.constant 16 : i32
      %mul3A_104 = arith.muli %scan3A_102, %mul3A_103 : i32
      %get3A_105 = arith.index_cast %mul3A_104 : i32 to index
      %get3A_106 = tpu.vector_load %arg7[%get3A_105] {strides = array<i32>} : memref<1024xf32, #tpu.memory_space<vmem>>, vector<16xf32>,
      %get3A_107 = vector.shape_cast %get3A_106 : vector<16xf32> to vector<16xf32>
      %neg3A_108 = arith.constant 0.000000e+00 : f32
      %neg3A_109 = vector.broadcast %neg3A_108 : f32 to vector<16xf32>
      %neg3A_110 = arith.subf %neg3A_109, %get3A_107 : vector<16xf32>
      %exp3A_111 = math.exp %neg3A_110 : vector<16xf32>
      %add3A_112 = arith.constant 1.000000e+00 : f32
      %add3A_113 = vector.broadcast %add3A_112 : f32 to vector<16xf32>
      %add3A_114 = arith.addf %add3A_113, %exp3A_111 : vector<16xf32>
      %div3A_115 = arith.constant 1.000000e+00 : f32
      %div3A_116 = vector.broadcast %div3A_115 : f32 to vector<16xf32>
      %div3A_117 = arith.divf %div3A_116, %add3A_114 : vector<16xf32>
      %mul3A_118 = arith.constant 16 : i32
      %mul3A_119 = arith.muli %scan3A_102, %mul3A_118 : i32
      %swap3A_120 = arith.index_cast %mul3A_119 : i32 to index
      %swap3A_121 = tpu.vector_load %arg7[%swap3A_120] {strides = array<i32>} : memref<1024xf32, #tpu.memory_space<vmem>>, vector<16xf32>,
      %swap3A_122 = vector.shape_cast %swap3A_121 : vector<16xf32> to vector<16xf32>
      %swap3A_123 = vector.shape_cast %div3A_117 : vector<16xf32> to vector<16xf32>
      tpu.vector_store %arg7[%swap3A_120], %swap3A_123 {strides = array<i32>} : memref<1024xf32, #tpu.memory_space<vmem>>, vector<16xf32>,
      %scan3A_124 = arith.constant 3 : i32
      %scan3A_125 = arith.addi %scan3A_61, %scan3A_124 : i32
      %mul3A_126 = arith.constant 16 : i32
      %mul3A_127 = arith.muli %scan3A_125, %mul3A_126 : i32
      %get3A_128 = arith.index_cast %mul3A_127 : i32 to index
      %get3A_129 = tpu.vector_load %arg7[%get3A_128] {strides = array<i32>} : memref<1024xf32, #tpu.memory_space<vmem>>, vector<16xf32>,
      %get3A_130 = vector.shape_cast %get3A_129 : vector<16xf32> to vector<16xf32>
      %neg3A_131 = arith.constant 0.000000e+00 : f32
      %neg3A_132 = vector.broadcast %neg3A_131 : f32 to vector<16xf32>
      %neg3A_133 = arith.subf %neg3A_132, %get3A_130 : vector<16xf32>
      %exp3A_134 = math.exp %neg3A_133 : vector<16xf32>
      %add3A_135 = arith.constant 1.000000e+00 : f32
      %add3A_136 = vector.broadcast %add3A_135 : f32 to vector<16xf32>
      %add3A_137 = arith.addf %add3A_136, %exp3A_134 : vector<16xf32>
      %div3A_138 = arith.constant 1.000000e+00 : f32
      %div3A_139 = vector.broadcast %div3A_138 : f32 to vector<16xf32>
      %div3A_140 = arith.divf %div3A_139, %add3A_137 : vector<16xf32>
      %mul3A_141 = arith.constant 16 : i32
      %mul3A_142 = arith.muli %scan3A_125, %mul3A_141 : i32
      %swap3A_143 = arith.index_cast %mul3A_142 : i32 to index
      %swap3A_144 = tpu.vector_load %arg7[%swap3A_143] {strides = array<i32>} : memref<1024xf32, #tpu.memory_space<vmem>>, vector<16xf32>,
      %swap3A_145 = vector.shape_cast %swap3A_144 : vector<16xf32> to vector<16xf32>
      %swap3A_146 = vector.shape_cast %div3A_140 : vector<16xf32> to vector<16xf32>
      tpu.vector_store %arg7[%swap3A_143], %swap3A_146 {strides = array<i32>} : memref<1024xf32, #tpu.memory_space<vmem>>, vector<16xf32>,
      %scan3A_147 = arith.constant 4 : i32
      %scan3A_148 = arith.addi %scan3A_61, %scan3A_147 : i32
      %mul3A_149 = arith.constant 16 : i32
      %mul3A_150 = arith.muli %scan3A_148, %mul3A_149 : i32
      %get3A_151 = arith.index_cast %mul3A_150 : i32 to index
      %get3A_152 = tpu.vector_load %arg7[%get3A_151] {strides = array<i32>} : memref<1024xf32, #tpu.memory_space<vmem>>, vector<16xf32>,
      %get3A_153 = vector.shape_cast %get3A_152 : vector<16xf32> to vector<16xf32>
      %neg3A_154 = arith.constant 0.000000e+00 : f32
      %neg3A_155 = vector.broadcast %neg3A_154 : f32 to vector<16xf32>
      %neg3A_156 = arith.subf %neg3A_155, %get3A_153 : vector<16xf32>
      %exp3A_157 = math.exp %neg3A_156 : vector<16xf32>
      %add3A_158 = arith.constant 1.000000e+00 : f32
      %add3A_159 = vector.broadcast %add3A_158 : f32 to vector<16xf32>
      %add3A_160 = arith.addf %add3A_159, %exp3A_157 : vector<16xf32>
      %div3A_161 = arith.constant 1.000000e+00 : f32
      %div3A_162 = vector.broadcast %div3A_161 : f32 to vector<16xf32>
      %div3A_163 = arith.divf %div3A_162, %add3A_160 : vector<16xf32>
      %mul3A_164 = arith.constant 16 : i32
      %mul3A_165 = arith.muli %scan3A_148, %mul3A_164 : i32
      %swap3A_166 = arith.index_cast %mul3A_165 : i32 to index
      %swap3A_167 = tpu.vector_load %arg7[%swap3A_166] {strides = array<i32>} : memref<1024xf32, #tpu.memory_space<vmem>>, vector<16xf32>,
      %swap3A_168 = vector.shape_cast %swap3A_167 : vector<16xf32> to vector<16xf32>
      %swap3A_169 = vector.shape_cast %div3A_163 : vector<16xf32> to vector<16xf32>
      tpu.vector_store %arg7[%swap3A_166], %swap3A_169 {strides = array<i32>} : memref<1024xf32, #tpu.memory_space<vmem>>, vector<16xf32>,
      %scan3A_170 = arith.constant 5 : i32
      %scan3A_171 = arith.addi %scan3A_61, %scan3A_170 : i32
      %mul3A_172 = arith.constant 16 : i32
      %mul3A_173 = arith.muli %scan3A_171, %mul3A_172 : i32
      %get3A_174 = arith.index_cast %mul3A_173 : i32 to index
      %get3A_175 = tpu.vector_load %arg7[%get3A_174] {strides = array<i32>} : memref<1024xf32, #tpu.memory_space<vmem>>, vector<16xf32>,
      %get3A_176 = vector.shape_cast %get3A_175 : vector<16xf32> to vector<16xf32>
      %neg3A_177 = arith.constant 0.000000e+00 : f32
      %neg3A_178 = vector.broadcast %neg3A_177 : f32 to vector<16xf32>
      %neg3A_179 = arith.subf %neg3A_178, %get3A_176 : vector<16xf32>
      %exp3A_180 = math.exp %neg3A_179 : vector<16xf32>
      %add3A_181 = arith.constant 1.000000e+00 : f32
      %add3A_182 = vector.broadcast %add3A_181 : f32 to vector<16xf32>
      %add3A_183 = arith.addf %add3A_182, %exp3A_180 : vector<16xf32>
      %div3A_184 = arith.constant 1.000000e+00 : f32
      %div3A_185 = vector.broadcast %div3A_184 : f32 to vector<16xf32>
      %div3A_186 = arith.divf %div3A_185, %add3A_183 : vector<16xf32>
      %mul3A_187 = arith.constant 16 : i32
      %mul3A_188 = arith.muli %scan3A_171, %mul3A_187 : i32
      %swap3A_189 = arith.index_cast %mul3A_188 : i32 to index
      %swap3A_190 = tpu.vector_load %arg7[%swap3A_189] {strides = array<i32>} : memref<1024xf32, #tpu.memory_space<vmem>>, vector<16xf32>,
      %swap3A_191 = vector.shape_cast %swap3A_190 : vector<16xf32> to vector<16xf32>
      %swap3A_192 = vector.shape_cast %div3A_186 : vector<16xf32> to vector<16xf32>
      tpu.vector_store %arg7[%swap3A_189], %swap3A_192 {strides = array<i32>} : memref<1024xf32, #tpu.memory_space<vmem>>, vector<16xf32>,
      %scan3A_193 = arith.constant 6 : i32
      %scan3A_194 = arith.addi %scan3A_61, %scan3A_193 : i32
      %mul3A_195 = arith.constant 16 : i32
      %mul3A_196 = arith.muli %scan3A_194, %mul3A_195 : i32
      %get3A_197 = arith.index_cast %mul3A_196 : i32 to index
      %get3A_198 = tpu.vector_load %arg7[%get3A_197] {strides = array<i32>} : memref<1024xf32, #tpu.memory_space<vmem>>, vector<16xf32>,
      %get3A_199 = vector.shape_cast %get3A_198 : vector<16xf32> to vector<16xf32>
      %neg3A_200 = arith.constant 0.000000e+00 : f32
      %neg3A_201 = vector.broadcast %neg3A_200 : f32 to vector<16xf32>
      %neg3A_202 = arith.subf %neg3A_201, %get3A_199 : vector<16xf32>
      %exp3A_203 = math.exp %neg3A_202 : vector<16xf32>
      %add3A_204 = arith.constant 1.000000e+00 : f32
      %add3A_205 = vector.broadcast %add3A_204 : f32 to vector<16xf32>
      %add3A_206 = arith.addf %add3A_205, %exp3A_203 : vector<16xf32>
      %div3A_207 = arith.constant 1.000000e+00 : f32
      %div3A_208 = vector.broadcast %div3A_207 : f32 to vector<16xf32>
      %div3A_209 = arith.divf %div3A_208, %add3A_206 : vector<16xf32>
      %mul3A_210 = arith.constant 16 : i32
      %mul3A_211 = arith.muli %scan3A_194, %mul3A_210 : i32
      %swap3A_212 = arith.index_cast %mul3A_211 : i32 to index
      %swap3A_213 = tpu.vector_load %arg7[%swap3A_212] {strides = array<i32>} : memref<1024xf32, #tpu.memory_space<vmem>>, vector<16xf32>,
      %swap3A_214 = vector.shape_cast %swap3A_213 : vector<16xf32> to vector<16xf32>
      %swap3A_215 = vector.shape_cast %div3A_209 : vector<16xf32> to vector<16xf32>
      tpu.vector_store %arg7[%swap3A_212], %swap3A_215 {strides = array<i32>} : memref<1024xf32, #tpu.memory_space<vmem>>, vector<16xf32>,
      %scan3A_216 = arith.constant 7 : i32
      %scan3A_217 = arith.addi %scan3A_61, %scan3A_216 : i32
      %mul3A_218 = arith.constant 16 : i32
      %mul3A_219 = arith.muli %scan3A_217, %mul3A_218 : i32
      %get3A_220 = arith.index_cast %mul3A_219 : i32 to index
      %get3A_221 = tpu.vector_load %arg7[%get3A_220] {strides = array<i32>} : memref<1024xf32, #tpu.memory_space<vmem>>, vector<16xf32>,
      %get3A_222 = vector.shape_cast %get3A_221 : vector<16xf32> to vector<16xf32>
      %neg3A_223 = arith.constant 0.000000e+00 : f32
      %neg3A_224 = vector.broadcast %neg3A_223 : f32 to vector<16xf32>
      %neg3A_225 = arith.subf %neg3A_224, %get3A_222 : vector<16xf32>
      %exp3A_226 = math.exp %neg3A_225 : vector<16xf32>
      %add3A_227 = arith.constant 1.000000e+00 : f32
      %add3A_228 = vector.broadcast %add3A_227 : f32 to vector<16xf32>
      %add3A_229 = arith.addf %add3A_228, %exp3A_226 : vector<16xf32>
      %div3A_230 = arith.constant 1.000000e+00 : f32
      %div3A_231 = vector.broadcast %div3A_230 : f32 to vector<16xf32>
      %div3A_232 = arith.divf %div3A_231, %add3A_229 : vector<16xf32>
      %mul3A_233 = arith.constant 16 : i32
      %mul3A_234 = arith.muli %scan3A_217, %mul3A_233 : i32
      %swap3A_235 = arith.index_cast %mul3A_234 : i32 to index
      %swap3A_236 = tpu.vector_load %arg7[%swap3A_235] {strides = array<i32>} : memref<1024xf32, #tpu.memory_space<vmem>>, vector<16xf32>,
      %swap3A_237 = vector.shape_cast %swap3A_236 : vector<16xf32> to vector<16xf32>
      %swap3A_238 = vector.shape_cast %div3A_232 : vector<16xf32> to vector<16xf32>
      tpu.vector_store %arg7[%swap3A_235], %swap3A_238 {strides = array<i32>} : memref<1024xf32, #tpu.memory_space<vmem>>, vector<16xf32>,
    }
    %scan3A_40 = arith.constant 32 : i32
    %add3A_41 = arith.constant 512 : i32
    %add3A_42 = arith.addi %mul3A_0, %add3A_41 : i32
    %dma_start3A_43 = arith.constant 512 : i32
    %dma_start3A_44 = tpu.memref_slice %arg7[%dma_start3A_43] : memref<1024xf32, #tpu.memory_space<vmem>> -> memref<512xf32, #tpu.memory_space<vmem>>
    %dma_start3A_45 = tpu.memref_slice %arg4[%add3A_42] : memref<16384xf32, #tpu.memory_space<hbm>> -> memref<512xf32, #tpu.memory_space<hbm>>
    %dma_start3A_46 = tpu.memref_slice %arg4[%add3A_42] : memref<16384xf32, #tpu.memory_space<hbm>> -> memref<512xf32, #tpu.memory_space<hbm>>
    %dma_start3A_47 = arith.constant 512 : i32
    %dma_start3A_48 = tpu.memref_slice %arg7[%dma_start3A_47] : memref<1024xf32, #tpu.memory_space<vmem>> -> memref<512xf32, #tpu.memory_space<vmem>>
    tpu.enqueue_dma source(%dma_start3A_48 : memref<512xf32, #tpu.memory_space<vmem>>) target(%dma_start3A_46 : memref<512xf32, #tpu.memory_space<hbm>>) target_semaphore(%arg12 : memref<!tpu.dma_semaphore, #tpu.memory_space<semaphore_mem>>)
    %dma_wait3A_49 = arith.constant 0 : i32
    %dma_wait3A_50 = tpu.memref_slice %arg7[%dma_wait3A_49] : memref<1024xf32, #tpu.memory_space<vmem>> -> memref<512xf32, #tpu.memory_space<vmem>>
    %dma_wait3A_51 = tpu.memref_slice %arg4[%mul3A_0] : memref<16384xf32, #tpu.memory_space<hbm>> -> memref<512xf32, #tpu.memory_space<hbm>>
    %dma_wait3A_52 = tpu.memref_slice %arg4[%mul3A_0] : memref<16384xf32, #tpu.memory_space<hbm>> -> memref<512xf32, #tpu.memory_space<hbm>>
    %dma_wait3A_53 = arith.constant 0 : i32
    %dma_wait3A_54 = tpu.memref_slice %arg7[%dma_wait3A_53] : memref<1024xf32, #tpu.memory_space<vmem>> -> memref<512xf32, #tpu.memory_space<vmem>>
    tpu.wait_dma2 semaphore(%arg12 : memref<!tpu.dma_semaphore, #tpu.memory_space<semaphore_mem>>) src(%dma_wait3A_54 : memref<512xf32, #tpu.memory_space<vmem>>) dst(%dma_wait3A_52 : memref<512xf32, #tpu.memory_space<hbm>>)
    %dma_wait3A_55 = arith.constant 512 : i32
    %dma_wait3A_56 = tpu.memref_slice %arg7[%dma_wait3A_55] : memref<1024xf32, #tpu.memory_space<vmem>> -> memref<512xf32, #tpu.memory_space<vmem>>
    %dma_wait3A_57 = tpu.memref_slice %arg4[%add3A_42] : memref<16384xf32, #tpu.memory_space<hbm>> -> memref<512xf32, #tpu.memory_space<hbm>>
    %dma_wait3A_58 = tpu.memref_slice %arg4[%add3A_42] : memref<16384xf32, #tpu.memory_space<hbm>> -> memref<512xf32, #tpu.memory_space<hbm>>
    %dma_wait3A_59 = arith.constant 512 : i32
    %dma_wait3A_60 = tpu.memref_slice %arg7[%dma_wait3A_59] : memref<1024xf32, #tpu.memory_space<vmem>> -> memref<512xf32, #tpu.memory_space<vmem>>
    tpu.wait_dma2 semaphore(%arg12 : memref<!tpu.dma_semaphore, #tpu.memory_space<semaphore_mem>>) src(%dma_wait3A_60 : memref<512xf32, #tpu.memory_space<vmem>>) dst(%dma_wait3A_58 : memref<512xf32, #tpu.memory_space<hbm>>)
    return
  }
}

</mosaic_0001>

<sc_bundles>
// kernel: kernel.3.cloned.1.call-start
scs
__scs_entry_jumppad:
0x0: {  	(pc) =	sbr.rel $0x88, $3  }
0x1: {  	(tag) =	ssettag $0x0;
	lr =	simm.s32 $0x1  }
0x2: {  	[smem:$0x3F9F] =	sst lr;
	_ =	strace $0xD0000000  }
0x3: {  	_ = 	snop  }
0x4: {  	_ = 	snop  }
0x5: {  	_ = 	snop  }
0x6: {  	_ = 	snop  }
0x7: {  	_ = 	snop  }
__scs_overlays_trampoline_lowered:
0x8: {  	[smem:$0x3FAE] =	sst s0  }
0x9: {  	[smem:$0x3FAF] =	sst s1  }
0xa: {  	[smem:$0x3FB0] =	sst s2  }
0xb: {  	[smem:$0x3FB1] =	sst s3  }
0xc: {  	[smem:$0x3FB2] =	sst s4  }
0xd: {  	[smem:$0x3FB3] =	sst s5  }
0xe: {  	[smem:$0x3FB4] =	sst s6  }
0xf: {  	[smem:$0x3FB5] =	sst s7  }
0x10: {  	[smem:$0x3FB6] =	sst s8  }
0x11: {  	[smem:$0x3FB7] =	sst s9;
	s0 =	simm.s32 @!p0 $0x0  }
0x12: {  	s1 =	sld [smem:$0x3F9D];
	s0 =	simm.s32 @p0 $0x1  }
0x13: {  	[smem:$0x3FB8] =	sst s0;
	s0 =	simm.s32 @!p1 $0x0  }
0x14: {  	s2 =	sld [smem:$0x3F9C];
	s0 =	simm.s32 @p1 $0x1  }
0x15: {  	[smem:$0x3FB9] =	sst s0;
	s0 =	simm.s32 @!p2 $0x0  }
0x16: {  	s3 =	sld [smem:$0x3FDB];
	s0 =	simm.s32 @p2 $0x1  }
0x17: {  	s4 =	simm.s32 $0x1BF5;
	[smem:$0x3FBB] =	sst s0  }
0x18: {  	s0 =	sld [smem:$0x3F9E];
	_ =	swait.ge [sflag:s4], $0x0  }
0x19: {  	s7 =	sld [smem:$0x3F9F]  }
0x1a: {  	s8 =	sadd.s32 $0xFFFFE003, lr  }
0x1b: {  	s9 =	sadd.s32 $0xFFFFFEF7, lr;
	s5 =	simm.s32 $0xFFFFFFFF;
	p2 =	slt.u32 s8, $0xFFFFF086  }
0x1c: {  	p1 =	slt.u32 s9, $0xF7A;
	s5 =	simm.s32 @!p2 $0x0  }
0x1d: {  	s5 =	simm.s32 @p1 $0x1;
	p0 =	seq.s32 s7, s2  }
0x1e: {  	s7 =	smul.u32 @!p0 $0xF7A, s2;
	p2 =	seq.s32 @!p0 s5, $0x0  }
0x1f: {  	s9 =	smul.u32 $0xF7A, s1;
	s8 =	simm.s32 @!p0 $0x1BF5;
	p2 =	por !p2, p0  }
0x20: {  	[sflag:s8] =	ssyncset.s32 @!p0 $0xFFFFF086;
	s6 =	sadd.s32 @!p0 s3, s7;
	s7 =	simm.s32 @!p0 $0x108  }
0x21: {  	s3 =	sadd.s32 s3, s9;
	s6 =	sadd.s32 @!p0 $0x88, s6;
	s7 =	simm.s32 @p2 $0x1082  }
0x22: {  	[simem:s7], [sflag:s8] =	dma.local @!p0 [hbm:s6], $0xF7A  }
0x23: {  	s9 =	sor.u32 $0xD0000000, s2;
	s6 =	simm.s32 $0x108;
	_ =	swait.ge @!p0 [sflag:s8], $0x0  }
0x24: {  	s3 =	sadd.s32 $0x88, s3;
	s6 =	simm.s32 @!p1 $0x1082;
	[sflag:s4] =	ssyncset.s32 $0xFFFFF086  }
0x25: {  	[simem:s6], [sflag:s4] =	dma.local [hbm:s3], $0xF7A  }
0x26: {  	[smem:$0x3F9F] =	sst s1;
	(tag) =	ssettag s2;
	_ =	strace s9  }
0x27: {  	s1 =	sld [smem:$0x3FAF]  }
0x28: {  	s2 =	sld [smem:$0x3FB0]  }
0x29: {  	s4 =	sld [smem:$0x3FB2]  }
0x2a: {  	p0 =	seq.s32 s5, $0x0;
	s5 =	sld [smem:$0x3FB3]  }
0x2b: {  	s6 =	sld [smem:$0x3FB4]  }
0x2c: {  	s7 =	sld [smem:$0x3FB5]  }
0x2d: {  	s3 =	simm.s32 $0x108;
	s8 =	sld [smem:$0x3FB6]  }
0x2e: {  	s3 =	simm.s32 @!p0 $0x1082;
	s9 =	sld [smem:$0x3FB7]  }
0x2f: {  	lr =	sadd.s32 s0, s3;
	s0 =	sld [smem:$0x3FAE]  }
0x30: {  	s3 =	sld [smem:$0x3FB1]  }
0x31: {  	[smem:$0x3FBA] =	sst s10  }
0x32: {  	s10 =	sld [smem:$0x3FB8];
	_ =	sdelay $0x3  }
0x33: {  	p0 =	seq.s32 s10, $0x1;
	s10 =	sld [smem:$0x3FBA];
	_ =	sdelay $0x3  }
0x34: {  	[smem:$0x3FBA] =	sst s10  }
0x35: {  	s10 =	sld [smem:$0x3FB9];
	_ =	sdelay $0x3  }
0x36: {  	p1 =	seq.s32 s10, $0x1;
	s10 =	sld [smem:$0x3FBA];
	_ =	sdelay $0x3  }
0x37: {  	[smem:$0x3FBA] =	sst s10  }
0x38: {  	s10 =	sld [smem:$0x3FBB]  }
0x39: {  	_ = 	snop;
	(pc) =	sbr.ind lr, $3  }
0x3a: {  	_ = 	snop  }
0x3b: {  	_ = 	snop  }
0x3c: {  	p2 =	seq.s32 s10, $0x1;
	s10 =	sld [smem:$0x3FBA]  }
0x3d: {  	_ =	shalt  }
0x3e: {  	_ =	shalt  }
0x3f: {  	_ =	shalt  }
0x40: {  	_ =	shalt  }
0x41: {  	_ =	shalt  }
0x42: {  	_ =	shalt  }
0x43: {  	_ =	shalt  }
0x44: {  	_ =	shalt  }
0x45: {  	_ =	shalt  }
0x46: {  	_ =	shalt  }
0x47: {  	_ =	shalt  }
0x48: {  	_ =	shalt  }
0x49: {  	_ =	shalt  }
0x4a: {  	_ =	shalt  }
0x4b: {  	_ =	shalt  }
0x4c: {  	_ =	shalt  }
0x4d: {  	_ =	shalt  }
0x4e: {  	_ =	shalt  }
0x4f: {  	_ =	shalt  }
0x50: {  	_ =	shalt  }
0x51: {  	_ =	shalt  }
0x52: {  	_ =	shalt  }
0x53: {  	_ =	shalt  }
0x54: {  	_ =	shalt  }
0x55: {  	_ =	shalt  }
0x56: {  	_ =	shalt  }
0x57: {  	_ =	shalt  }
0x58: {  	_ =	shalt  }
0x59: {  	_ =	shalt  }
0x5a: {  	_ =	shalt  }
0x5b: {  	_ =	shalt  }
0x5c: {  	_ =	shalt  }
0x5d: {  	_ =	shalt  }
0x5e: {  	_ =	shalt  }
0x5f: {  	_ =	shalt  }
0x60: {  	_ =	shalt  }
0x61: {  	_ =	shalt  }
0x62: {  	_ =	shalt  }
0x63: {  	_ =	shalt  }
0x64: {  	_ =	shalt  }
0x65: {  	_ =	shalt  }
0x66: {  	_ =	shalt  }
0x67: {  	_ =	shalt  }
0x68: {  	_ =	shalt  }
0x69: {  	_ =	shalt  }
0x6a: {  	_ =	shalt  }
0x6b: {  	_ =	shalt  }
0x6c: {  	_ =	shalt  }
0x6d: {  	_ =	shalt  }
0x6e: {  	_ =	shalt  }
0x6f: {  	_ =	shalt  }
0x70: {  	_ =	shalt  }
0x71: {  	_ =	shalt  }
0x72: {  	_ =	shalt  }
0x73: {  	_ =	shalt  }
0x74: {  	_ =	shalt  }
0x75: {  	_ =	shalt  }
0x76: {  	_ =	shalt  }
0x77: {  	_ =	shalt  }
0x78: {  	_ =	shalt  }
0x79: {  	_ =	shalt  }
0x7a: {  	_ =	shalt  }
0x7b: {  	_ =	shalt  }
0x7c: {  	_ =	shalt  }
0x7d: {  	_ =	shalt  }
0x7e: {  	_ =	shalt  }
0x7f: {  	_ =	shalt  }
0x80: {  	_ =	shalt  }
0x81: {  	_ =	shalt  }
0x82: {  	_ =	shalt  }
0x83: {  	_ =	shalt  }
0x84: {  	_ =	shalt  }
0x85: {  	_ =	shalt  }
0x86: {  	_ =	shalt  }
0x87: {  	_ =	shalt  }
.Lfunc_end0:
.L_simem_size_0:
called_computation_lowered:
.L_overlay_start_0:
0x88: {  	s0 =	sld [smem:$0x3FD9]  }
0x89: {  	s1 =	sld [smem:$0x3FFE];
	_ =	sdelay $0x3  }
0x8a: {  	s0 =	sadd.s32 s1, s0  }
0x8b: {  	[smem:$0x3FC6] =	sst s0  }
0x8c: {  	_ = 	snop  }
0x8d: {  	s0 =	sld [smem:$0x3FC9]  }
0x8e: {  	s16 =	sld [smem:$0x3FD0];
	(tm) =	ssettm $0x1  }
0x8f: {  	s2 =	sld [smem:$0x3FFB];
	_ =	sdelay $0x3  }
0x90: {  	_ =	strace s2  }
0x91: {  	s2 =	sld [smem:$0x3FFC];
	_ =	sdelay $0x3  }
0x92: {  	_ =	strace s2  }
0x93: {  	s2 =	sld [smem:$0x3FFD];
	_ =	sdelay $0x3  }
0x94: {  	_ =	strace s2  }
0x95: {  	_ =	strace $0x8FFFFFFF  }
0x96: {  	s17 =	sld [smem:$0x3FDB];
	_ =	sdelay $0x1  }
0x97: {  	s3 =	simm.s32 $_scs_section_size  }
0x98: {  	s4 =	simm.s32 $_size__tile_overlayer_lowered;
	s5 =	simm.s32 $_tile_overlayer_lowered  }
0x99: {  	s20 =	simm.s32 $0x1BFF;
	s19 =	sshll.u32 s5, $0x1;
	s2 =	sadd.s32 s3, s17  }
0x9a: {  	s6 =	simm.s32 $0x0;
	s18 =	sshll.u32 s4, $0x1;
	s4 =	sadd.s32 s19, s2  }
0x9b: {  	[timem:s6], [sflag:s20] =	dma.local [hbm:s4], s18  }
0x9c: {  	_ =	swait.ge [sflag:s20], s18  }
0x9d: {  	s3 =	ssub.s32 $0x0, s18;
	[sflag:s20] =	ssyncset.done $0x0  }
0x9e: {  	[sflag:s20] =	ssyncadd.s32 s3;
	_ =	sdelay $0x1  }
0x9f: {  	s21 =	simm.s32 $0x1B8B  }
0xa0: {  	_ =	swait.ge [sflag:s21], $0x1  }
0xa1: {  	[sflag:s21] =	ssyncset.done $0x0  }
0xa2: {  	s23 =	simm.s32 $0x1B8E;
	s22 =	sld [smem:$0x3FFE];
	[sflag:s21] =	ssyncadd.s32 $0xFFFFFFFF  }
0xa3: {  	s24 =	simm.s32 $execute0_lowered;
	[smem:$0x3FD2] =	sst s23  }
0xa4: {  	s4 =	sshll.u32 s24, $0x1;
	_ =	strace $0x80000046;
	[dreg:$0x1] =	wrdreg $0xFFFFFFFF  }
0xa5: {  	s25 =	simm.s32 $_size_execute0_lowered;
	s2 =	sadd.s32 s2, s4;
	[dreg:$0x0] =	wrdreg $0x0  }
0xa6: {  	s4 =	sshll.u32 s25, $0x1;
	[dreg:$0x2] =	wrdreg s2  }
0xa7: {  	[dreg:$0x3] =	wrdreg s4  }
0xa8: {  	[dreg:$0x4] =	wrdreg $0xC0  }
0xa9: {  	_ =	task [dreg:s6], $0x5FFFF  }
0xaa: {  	[dreg:$0x1] =	wrdreg $0xFFFFFFFF  }
0xab: {  	[dreg:$0x0] =	wrdreg $0x60  }
0xac: {  	[dreg:$0x2] =	wrdreg s0  }
0xad: {  	[dreg:$0x3] =	wrdreg s22  }
0xae: {  	[dreg:$0x4] =	wrdreg s16  }
0xaf: {  	[dreg:$0x5] =	wrdreg $0x9  }
0xb0: {  	_ =	task.clear_ibuf [dreg:s6], $0x6FFFF;
	_ =	strace $0x90000046  }
0xb1: {  	s26 =	simm.s32 $0x9;
	_ =	strace $0x80000048  }
0xb2: {  	_ =	swait.ge [sflag:s26], $0x1  }
0xb3: {  	[sflag:s26] =	ssyncadd.s32 $0xFFFFFFFF  }
0xb4: {  	_ =	strace $0x90000048  }
0xb5: {  	_ =	sfence  }
0xb6: {  	s28 =	sld [smem:$0x0];
	_ =	sdelay $0x1  }
0xb7: {  	s29 =	srdreg.scid  }
0xb8: {  	s30 =	sshll.u32 s29, $0xD;
	s31 =	sshrl.u32 s29, $0x2  }
0xb9: {  	s1 =	sand.u32 $0x1, s29;
	s2 =	sand.u32 $0x4000, s30;
	s0 =	sadd.s32 s31, s28  }
0xba: {  	s1 =	sor.u32 s2, s1;
	s0 =	sshll.u32 s0, $0x11  }
0xbb: {  	s0 =	sor.u32 s0, s1  }
0xbc: {  	s0 =	sadd.s32 $0x8F2B, s0  }
0xbd: {  	[sflag:s0] =	ssyncadd.remote.s32 $0x1  }
0xbe: {  	_ =	sfence.sel $0xFFFF  }
0xbf: {  	[dreg:$0x0] =	wrdreg $0xFFFFFFFF;
	(pc) =	sbr.abs _section_cstart, $3  }
0xc0: {  	[dreg:$0x1] =	wrdreg $0xFFFFFFFF  }
0xc1: {  	_ =	task.clear_ibuf [dreg:s6], $0x2FFFF;
	_ =	strace $0x9FFFFFFF  }
0xc2: {  	(tm) =	ssettm $0x7FFFFFFF  }
0xc3: {  	_ =	shalt  }
tec
execute0_lowered:
.L_overlay_start_1:
0x0: {  	(tag) =	ssettag $0x1  }
0x1: {  	s5 =	rddreg [dreg:$0x0]  }
0x2: {  	s6 =	rddreg [dreg:$0x1]  }
0x3: {  	s2 =	rddreg [dreg:$0x2]  }
0x4: {  	s0 =	rddreg [dreg:$0x3];
	s7 =	simm.s32 $0x0;
	s1 =	stileid.u32  }
0x5: {  	[smem:$0x7FF] =	sst s7;
	s4 =	sshll.u32 s1, $0x7  }
0x6: {  	_ =	strace $0x80000047;
	s8 =	sadd.s32 s5, s4;
	s3 =	sor.u32 $0x40, s4  }
0x7: {  	[tilespmem:s7], [sflag:$0x1] =	stream.linear.gather [hbm4b:s8+s7], $0x200, $0x38;
	[tilespmem:$0x800] =	vst v63  }
0x8: {  	s25 =	simm.s32 $0x200;
	s26 =	simm.s32 $0x1;
	s5 =	sadd.s32 s5, s3  }
0x9: {  	[tilespmem:s25], [sflag:$0x2] =	stream.linear.gather [hbm4b:s5+s7], $0x200, $0x38;
	[tilespmem:$0x800] =	vst v63  }
0xa: {  	_ =	swait.ge [sflag:s26], $0x200  }
0xb: {  	[sflag:s26] =	ssyncset.done $0x0  }
0xc: {  	s28 =	simm.s32 $0x400;
	s29 =	simm.s32 $0x2;
	[sflag:s26] =	ssyncadd.s32 $0xFFFFFE00  }
0xd: {  	[tilespmem:s28], [sflag:$0x3] =	stream.indirect.gather [hbm4b:s6+s25], $0x1, s7, s25, $0xb8;
	[tilespmem:$0x800] =	vst v63  }
0xe: {  	_ =	swait.ge [sflag:s29], $0x200  }
0xf: {  	[sflag:s29] =	ssyncset.done $0x0  }
0x10: {  	s30 =	simm.s32 $0x600;
	s31 =	simm.s32 $0x3;
	[sflag:s29] =	ssyncadd.s32 $0xFFFFFE00  }
0x11: {  	[tilespmem:s30], [sflag:$0x4] =	stream.indirect.gather [hbm4b:s6+s25], $0x1, s25, s25, $0xb8;
	[tilespmem:$0x800] =	vst v63  }
0x12: {  	_ =	swait.ge [sflag:s31], $0x200  }
0x13: {  	[sflag:s31] =	ssyncset.done $0x0  }
0x14: {  	s5 =	simm.s32 $0x440;
	[sflag:s31] =	ssyncadd.s32 $0xFFFFFE00  }
0x15: {  	v0 =	vld [tilespmem:s5+$0xFFFFFFC0]  }
0x16: {  	v1 =	vld [tilespmem:s5+$0xFFFFFFD0];
	_ =	sdelay $0x2  }
0x17: {  	v2 =	vld [tilespmem:s5+$0xFFFFFFE0]  }
0x18: {  	v3 =	vld [tilespmem:s5+$0x0];
	v0 =	vsub.f32 $0.0e+00, v0  }
0x19: {  	v4 =	vld [tilespmem:s5+$0x10];
	v1 =	vsub.f32 $0.0e+00, v1  }
0x1a: {  	v6 =	vld [tilespmem:s5+$0x30];
	v0 =	vmul.f32 $1.442695020e+00, v0  }
0x1b: {  	v5 =	vld [tilespmem:s5+$0x20];
	v1 =	vmul.f32 $1.442695020e+00, v1  }
0x1c: {  	(erf) = vpow2.f32 v0;
	v0 =	vsub.f32 $0.0e+00, v2  }
0x1d: {  	v2 =	vld [tilespmem:s5+$0xFFFFFFF0];
	(erf) = vpow2.f32 v1;
	v1 =	vsub.f32 $0.0e+00, v3  }
0x1e: {  	v3 =	vsub.f32 $0.0e+00, v4;
	v0 =	vmul.f32 $1.442695020e+00, v0  }
0x1f: {  	v63 =	vsub.f32 $0.0e+00, v6;
	v1 =	vmul.f32 $1.442695020e+00, v1  }
0x20: {  	v62 =	vsub.f32 $0.0e+00, v5;
	v3 =	vmul.f32 $1.442695020e+00, v3;
	(erf) = vpow2.f32 v0  }
0x21: {  	(erf) = vpow2.f32 v1;
	v1 =	vmul.f32 $1.442695020e+00, v63  }
0x22: {  	v0 =	vsub.f32 $0.0e+00, v2;
	v2 =	vmul.f32 $1.442695020e+00, v62  }
0x23: {  	(erf) = vpow2.f32 v3  }
0x24: {  	v0 =	vmul.f32 $1.442695020e+00, v0;
	(erf) = vpow2.f32 v2  }
0x25: {  	(erf) = vpow2.f32 v1;
	v1 =	vpop (erf)  }
0x26: {  	(erf) = vpow2.f32 v0;
	v0 =	vadd.f32 $1.000000000e+00, v1;
	v1 =	vpop (erf)  }
0x27: {  	v1 =	vadd.f32 $1.000000000e+00, v1;
	_ =	sdelay $0x2  }
0x28: {  	(erf) = vrcp.f32 v0;
	v0 =	vpop (erf)  }
0x29: {  	(erf) = vrcp.f32 v1;
	v0 =	vadd.f32 $1.000000000e+00, v0;
	v1 =	vpop (erf)  }
0x2a: {  	v1 =	vadd.f32 $1.000000000e+00, v1;
	_ =	sdelay $0x1  }
0x2b: {  	v2 =	vpop (erf)  }
0x2c: {  	v2 =	vadd.f32 $1.000000000e+00, v2;
	(erf) = vrcp.f32 v0;
	v0 =	vpop (erf)  }
0x2d: {  	(erf) = vrcp.f32 v1;
	v0 =	vadd.f32 $1.000000000e+00, v0;
	v1 =	vpop (erf)  }
0x2e: {  	(erf) = vrcp.f32 v2;
	v1 =	vadd.f32 $1.000000000e+00, v1;
	v3 =	vpop (erf)  }
0x2f: {  	v2 =	vadd.f32 $1.000000000e+00, v3;
	(erf) = vrcp.f32 v0  }
0x30: {  	(erf) = vrcp.f32 v1  }
0x31: {  	(erf) = vrcp.f32 v2;
	_ =	sdelay $0x1  }
0x32: {  	v0 =	vpop (erf)  }
0x33: {  	s7 =	simm.s32 $0x4C0;
	s6 =	simm.s32 $0x0;
	[tilespmem:s5+$0xFFFFFFC0] =	vst v0;
	v0 =	vpop (erf)  }
.LBB2_1:
0x34: {  	v1 =	vld [tilespmem:s7+$0xFFFFFFC0];
	[tilespmem:s5+$0xFFFFFFD0] =	vst v0;
	v0 =	vpop (erf)  }
0x35: {  	v2 =	vld [tilespmem:s7+$0xFFFFFFD0];
	[tilespmem:s5+$0xFFFFFFE0] =	vst v0;
	v0 =	vpop (erf)  }
0x36: {  	v3 =	vld [tilespmem:s7+$0xFFFFFFE0];
	[tilespmem:s5+$0x0] =	vst v0;
	v0 =	vpop (erf)  }
0x37: {  	v4 =	vld [tilespmem:s7+$0x0];
	[tilespmem:s5+$0x10] =	vst v0;
	v0 =	vpop (erf)  }
0x38: {  	v5 =	vld [tilespmem:s7+$0x10];
	[tilespmem:s5+$0x20] =	vst v0;
	v0 =	vpop (erf)  }
0x39: {  	v1 =	vsub.f32 $0.0e+00, v1;
	v6 =	vld [tilespmem:s7+$0x20];
	[tilespmem:s5+$0x30] =	vst v0;
	v0 =	vpop (erf)  }
0x3a: {  	s6 =	sadd.s32 $0x8, s6;
	v2 =	vsub.f32 $0.0e+00, v2;
	v7 =	vld [tilespmem:s7+$0x30];
	[tilespmem:s5+$0xFFFFFFF0] =	vst v0;
	s5 =	smov.u32 s7  }
0x3b: {  	p0 =	slt.u32 s6, $0x18;
	v0 =	vmul.f32 $1.442695020e+00, v1;
	v1 =	vsub.f32 $0.0e+00, v3;
	v3 =	vld [tilespmem:s7+$0xFFFFFFF0]  }
0x3c: {  	v2 =	vmul.f32 $1.442695020e+00, v2;
	v4 =	vsub.f32 $0.0e+00, v4  }
0x3d: {  	v1 =	vmul.f32 $1.442695020e+00, v1;
	v5 =	vsub.f32 $0.0e+00, v5;
	(erf) = vpow2.f32 v0  }
0x3e: {  	v0 =	vmul.f32 $1.442695020e+00, v4;
	v4 =	vsub.f32 $0.0e+00, v6;
	(erf) = vpow2.f32 v2  }
0x3f: {  	v2 =	vmul.f32 $1.442695020e+00, v5;
	v5 =	vsub.f32 $0.0e+00, v7;
	(erf) = vpow2.f32 v1  }
0x40: {  	v1 =	vsub.f32 $0.0e+00, v3;
	v3 =	vmul.f32 $1.442695020e+00, v4;
	(erf) = vpow2.f32 v0  }
0x41: {  	v0 =	vmul.f32 $1.442695020e+00, v5;
	(erf) = vpow2.f32 v2  }
0x42: {  	v1 =	vmul.f32 $1.442695020e+00, v1;
	(erf) = vpow2.f32 v3  }
0x43: {  	(erf) = vpow2.f32 v0  }
0x44: {  	(erf) = vpow2.f32 v1;
	_ =	sdelay $0x1  }
0x45: {  	v0 =	vpop (erf)  }
0x46: {  	v3 =	vadd.f32 $1.000000000e+00, v0;
	v1 =	vpop (erf)  }
0x47: {  	v4 =	vadd.f32 $1.000000000e+00, v1;
	v2 =	vpop (erf)  }
0x48: {  	v5 =	vadd.f32 $1.000000000e+00, v2;
	(erf) = vrcp.f32 v3;
	v0 =	vpop (erf)  }
0x49: {  	v6 =	vadd.f32 $1.000000000e+00, v0;
	(erf) = vrcp.f32 v4;
	v1 =	vpop (erf)  }
0x4a: {  	v1 =	vadd.f32 $1.000000000e+00, v1;
	(erf) = vrcp.f32 v5;
	v2 =	vpop (erf)  }
0x4b: {  	v2 =	vadd.f32 $1.000000000e+00, v2;
	(erf) = vrcp.f32 v6;
	v0 =	vpop (erf)  }
0x4c: {  	v0 =	vadd.f32 $1.000000000e+00, v0;
	v3 =	vpop (erf);
	(erf) = vrcp.f32 v1  }
0x4d: {  	v1 =	vadd.f32 $1.000000000e+00, v3;
	(erf) = vrcp.f32 v2  }
.Ltmp0:
0x4e: {  	(erf) = vrcp.f32 v0;
	(pc) =	sbr.rel @p0 .LBB2_1-.Ltmp0, $3  }
0x4f: {  	(erf) = vrcp.f32 v1;
	_ =	sdelay $0x1  }
0x50: {  	v0 =	vpop (erf)  }
0x51: {  	s7 =	sadd.s32 $0x80, s7;
	[tilespmem:s5+$0xFFFFFFC0] =	vst v0;
	v0 =	vpop (erf)  }
0x52: {  	[tilespmem:s5+$0xFFFFFFD0] =	vst v0;
	v0 =	vpop (erf)  }
0x53: {  	[tilespmem:s5+$0xFFFFFFE0] =	vst v0;
	v0 =	vpop (erf)  }
0x54: {  	[tilespmem:s5+$0x0] =	vst v0;
	v0 =	vpop (erf)  }
0x55: {  	[tilespmem:s5+$0x10] =	vst v0;
	v0 =	vpop (erf)  }
0x56: {  	[tilespmem:s5+$0x20] =	vst v0;
	v0 =	vpop (erf)  }
0x57: {  	s4 =	sadd.s32 s2, s4;
	[tilespmem:s5+$0x30] =	vst v0;
	v0 =	vpop (erf)  }
0x58: {  	s30 =	simm.s32 $0x0;
	s6 =	simm.s32 $0x400;
	s31 =	simm.s32 $0x4;
	[tilespmem:s5+$0xFFFFFFF0] =	vst v0  }
0x59: {  	[hbm4b:s4+s30] =	stream.linear.scatter [tilespmem:s6], [sflag:$0x5], $0x200, $0x38;
	[tilespmem:$0x800] =	vst v63  }
0x5a: {  	_ =	swait.ge [sflag:s31], $0x200  }
0x5b: {  	[sflag:s31] =	ssyncset.done $0x0  }
0x5c: {  	s4 =	simm.s32 $0x670;
	[sflag:s31] =	ssyncadd.s32 $0xFFFFFE00  }
0x5d: {  	v0 =	vld [tilespmem:s4+$0xFFFFFF90]  }
0x5e: {  	v1 =	vld [tilespmem:s4+$0xFFFFFFA0];
	_ =	sdelay $0x2  }
0x5f: {  	v2 =	vld [tilespmem:s4+$0xFFFFFFB0]  }
0x60: {  	v3 =	vld [tilespmem:s4+$0xFFFFFFC0];
	v0 =	vsub.f32 $0.0e+00, v0  }
0x61: {  	v4 =	vld [tilespmem:s4+$0xFFFFFFD0];
	v1 =	vsub.f32 $0.0e+00, v1  }
0x62: {  	v5 =	vld [tilespmem:s4+$0xFFFFFFE0];
	v0 =	vmul.f32 $1.442695020e+00, v0  }
0x63: {  	v6 =	vld [tilespmem:s4+$0x0];
	v1 =	vmul.f32 $1.442695020e+00, v1  }
0x64: {  	(erf) = vpow2.f32 v0  }
0x65: {  	v0 =	vsub.f32 $0.0e+00, v2;
	(erf) = vpow2.f32 v1  }
0x66: {  	v1 =	vsub.f32 $0.0e+00, v3;
	v3 =	vsub.f32 $0.0e+00, v4  }
0x67: {  	v62 =	vsub.f32 $0.0e+00, v5;
	v2 =	vld [tilespmem:s4+$0xFFFFFFF0];
	v0 =	vmul.f32 $1.442695020e+00, v0  }
0x68: {  	v63 =	vsub.f32 $0.0e+00, v6;
	v1 =	vmul.f32 $1.442695020e+00, v1;
	v3 =	vmul.f32 $1.442695020e+00, v3  }
0x69: {  	(erf) = vpow2.f32 v0;
	v0 =	vmul.f32 $1.442695020e+00, v62  }
0x6a: {  	(erf) = vpow2.f32 v1;
	v1 =	vmul.f32 $1.442695020e+00, v63  }
0x6b: {  	(erf) = vpow2.f32 v3  }
0x6c: {  	v2 =	vsub.f32 $0.0e+00, v2  }
0x6d: {  	(erf) = vpow2.f32 v0;
	v0 =	vpop (erf)  }
0x6e: {  	v2 =	vmul.f32 $1.442695020e+00, v2;
	(erf) = vpow2.f32 v1;
	v0 =	vadd.f32 $1.000000000e+00, v0;
	v1 =	vpop (erf)  }
0x6f: {  	v1 =	vadd.f32 $1.000000000e+00, v1  }
0x70: {  	(erf) = vpow2.f32 v2;
	_ =	sdelay $0x1  }
0x71: {  	(erf) = vrcp.f32 v0;
	v0 =	vpop (erf)  }
0x72: {  	(erf) = vrcp.f32 v1;
	v0 =	vadd.f32 $1.000000000e+00, v0;
	v1 =	vpop (erf)  }
0x73: {  	v1 =	vadd.f32 $1.000000000e+00, v1;
	v2 =	vpop (erf)  }
0x74: {  	v2 =	vadd.f32 $1.000000000e+00, v2;
	_ =	sdelay $0x1  }
0x75: {  	(erf) = vrcp.f32 v0;
	v0 =	vpop (erf)  }
0x76: {  	(erf) = vrcp.f32 v1;
	v0 =	vadd.f32 $1.000000000e+00, v0;
	v1 =	vpop (erf)  }
0x77: {  	(erf) = vrcp.f32 v2;
	v1 =	vadd.f32 $1.000000000e+00, v1;
	v2 =	vpop (erf)  }
0x78: {  	v2 =	vadd.f32 $1.000000000e+00, v2;
	(erf) = vrcp.f32 v0  }
0x79: {  	(erf) = vrcp.f32 v1  }
0x7a: {  	(erf) = vrcp.f32 v2;
	_ =	sdelay $0x1  }
0x7b: {  	v0 =	vpop (erf)  }
0x7c: {  	s5 =	simm.s32 $0x20;
	s6 =	simm.s32 $0x6F0;
	[tilespmem:s4+$0xFFFFFF90] =	vst v0;
	v0 =	vpop (erf)  }
.LBB2_3:
0x7d: {  	v1 =	vld [tilespmem:s6+$0xFFFFFF90];
	[tilespmem:s4+$0xFFFFFFA0] =	vst v0;
	v0 =	vpop (erf)  }
0x7e: {  	v2 =	vld [tilespmem:s6+$0xFFFFFFA0];
	[tilespmem:s4+$0xFFFFFFB0] =	vst v0;
	v0 =	vpop (erf)  }
0x7f: {  	v3 =	vld [tilespmem:s6+$0xFFFFFFB0];
	[tilespmem:s4+$0xFFFFFFC0] =	vst v0;
	v0 =	vpop (erf)  }
0x80: {  	v4 =	vld [tilespmem:s6+$0xFFFFFFC0];
	[tilespmem:s4+$0xFFFFFFD0] =	vst v0;
	v0 =	vpop (erf)  }
0x81: {  	v5 =	vld [tilespmem:s6+$0xFFFFFFD0];
	[tilespmem:s4+$0xFFFFFFE0] =	vst v0;
	v0 =	vpop (erf)  }
0x82: {  	v1 =	vsub.f32 $0.0e+00, v1;
	v6 =	vld [tilespmem:s6+$0xFFFFFFE0];
	[tilespmem:s4+$0x0] =	vst v0;
	v0 =	vpop (erf)  }
0x83: {  	s5 =	sadd.s32 $0x8, s5;
	v2 =	vsub.f32 $0.0e+00, v2;
	v7 =	vld [tilespmem:s6+$0x0];
	[tilespmem:s4+$0xFFFFFFF0] =	vst v0;
	s4 =	smov.u32 s6  }
0x84: {  	p0 =	slt.u32 s5, $0x38;
	v0 =	vmul.f32 $1.442695020e+00, v1;
	v1 =	vsub.f32 $0.0e+00, v3;
	v3 =	vld [tilespmem:s6+$0xFFFFFFF0]  }
0x85: {  	v2 =	vmul.f32 $1.442695020e+00, v2;
	v4 =	vsub.f32 $0.0e+00, v4  }
0x86: {  	v1 =	vmul.f32 $1.442695020e+00, v1;
	v5 =	vsub.f32 $0.0e+00, v5;
	(erf) = vpow2.f32 v0  }
0x87: {  	v0 =	vmul.f32 $1.442695020e+00, v4;
	v4 =	vsub.f32 $0.0e+00, v6;
	(erf) = vpow2.f32 v2  }
0x88: {  	v2 =	vmul.f32 $1.442695020e+00, v5;
	v5 =	vsub.f32 $0.0e+00, v7;
	(erf) = vpow2.f32 v1  }
0x89: {  	v1 =	vmul.f32 $1.442695020e+00, v4;
	v3 =	vsub.f32 $0.0e+00, v3;
	(erf) = vpow2.f32 v0  }
0x8a: {  	v0 =	vmul.f32 $1.442695020e+00, v5;
	(erf) = vpow2.f32 v2  }
0x8b: {  	v2 =	vmul.f32 $1.442695020e+00, v3;
	(erf) = vpow2.f32 v1  }
0x8c: {  	(erf) = vpow2.f32 v0  }
0x8d: {  	(erf) = vpow2.f32 v2;
	_ =	sdelay $0x1  }
0x8e: {  	v0 =	vpop (erf)  }
0x8f: {  	v3 =	vadd.f32 $1.000000000e+00, v0;
	v1 =	vpop (erf)  }
0x90: {  	v4 =	vadd.f32 $1.000000000e+00, v1;
	v2 =	vpop (erf)  }
0x91: {  	v5 =	vadd.f32 $1.000000000e+00, v2;
	(erf) = vrcp.f32 v3;
	v0 =	vpop (erf)  }
0x92: {  	v3 =	vadd.f32 $1.000000000e+00, v0;
	(erf) = vrcp.f32 v4;
	v1 =	vpop (erf)  }
0x93: {  	v4 =	vadd.f32 $1.000000000e+00, v1;
	(erf) = vrcp.f32 v5;
	v2 =	vpop (erf)  }
0x94: {  	v2 =	vadd.f32 $1.000000000e+00, v2;
	(erf) = vrcp.f32 v3;
	v0 =	vpop (erf)  }
0x95: {  	v0 =	vadd.f32 $1.000000000e+00, v0;
	(erf) = vrcp.f32 v4;
	v1 =	vpop (erf)  }
0x96: {  	v1 =	vadd.f32 $1.000000000e+00, v1;
	(erf) = vrcp.f32 v2  }
.Ltmp1:
0x97: {  	(erf) = vrcp.f32 v0;
	(pc) =	sbr.rel @p0 .LBB2_3-.Ltmp1, $3  }
0x98: {  	(erf) = vrcp.f32 v1;
	_ =	sdelay $0x1  }
0x99: {  	v0 =	vpop (erf)  }
0x9a: {  	s6 =	sadd.s32 $0x80, s6;
	[tilespmem:s4+$0xFFFFFF90] =	vst v0;
	v0 =	vpop (erf)  }
0x9b: {  	[tilespmem:s4+$0xFFFFFFA0] =	vst v0;
	v58 =	vpop (erf)  }
0x9c: {  	[tilespmem:s4+$0xFFFFFFB0] =	vst v58;
	v59 =	vpop (erf)  }
0x9d: {  	[tilespmem:s4+$0xFFFFFFC0] =	vst v59;
	v60 =	vpop (erf)  }
0x9e: {  	[tilespmem:s4+$0xFFFFFFD0] =	vst v60;
	v61 =	vpop (erf)  }
0x9f: {  	[tilespmem:s4+$0xFFFFFFE0] =	vst v61;
	v62 =	vpop (erf)  }
0xa0: {  	s2 =	sadd.s32 s2, s3;
	[tilespmem:s4+$0x0] =	vst v62;
	v63 =	vpop (erf)  }
0xa1: {  	s29 =	simm.s32 $0x0;
	s30 =	simm.s32 $0x600;
	s31 =	simm.s32 $0x5;
	[tilespmem:s4+$0xFFFFFFF0] =	vst v63  }
0xa2: {  	[hbm4b:s2+s29] =	stream.linear.scatter [tilespmem:s30], [sflag:$0x5], $0x200, $0x38;
	[tilespmem:$0x800] =	vst v63  }
0xa3: {  	_ =	swait.ge [sflag:s31], $0x200  }
0xa4: {  	[sflag:s31] =	ssyncset.done $0x0  }
0xa5: {  	[sflag:s31] =	ssyncadd.s32 $0xFFFFFE00  }
0xa6: {  	_ =	swait.ge [sflag:s31], $0x200  }
0xa7: {  	[sflag:s31] =	ssyncset.done $0x0  }
0xa8: {  	[sflag:s31] =	ssyncadd.s32 $0xFFFFFE00  }
0xa9: {  	_ =	sfence.sel $0x180000  }
0xaa: {  	[bflag:$0x0] =	sbarrier.arrive $0xFFFF  }
0xab: {  	p0 =	sne.s32 s1, $0x0;
	_ =	strace $0x90000047  }
0xac: {  	s0 =	sadd.s32 @!p0 $0x100000, s0;
	[bflag:$0x2] =	sbarrier.arrive $0xFFFF  }
0xad: {  	[sflag:s0] =	ssyncadd.tile.s32 @!p0 $0x1;
	_ =	shalt  }
.Lfunc_end2:
_tile_overlayer_lowered:
.L_overlay_start_2:
0xae: {  	(tag) =	ssettag $0x2  }
0xaf: {  	s0 =	rddreg [dreg:$0x0];
	s2 =	stileid.u32  }
0xb0: {  	s1 =	rddreg [dreg:$0x1];
	p0 =	sne.s32 s2, $0x0  }
0xb1: {  	s3 =	rddreg [dreg:$0x2];
	[bflag:$0x3] =	sbarrier.arrive $0xFFFF;
	s2 =	simm.s32 @!p0 $0x1C06  }
0xb2: {  	[timem:s3], [sflag:s2] =	dma.local @!p0 [hbm:s0], s1  }
0xb3: {  	s0 =	simm.s32 @!p0 $0x6  }
0xb4: {  	_ =	swait.ge @!p0 [sflag:s0], s1  }
0xb5: {  	s1 =	ssub.s32 @!p0 $0x0, s1;
	[sflag:s0] =	ssyncset.done @!p0 $0x0  }
0xb6: {  	[sflag:s0] =	ssyncadd.s32 @!p0 s1  }
0xb7: {  	[bflag:$0x3] =	sbarrier.arrive $0xFFFF  }
0xb8: {  	_ =	shalt  }

</sc_bundles>
